<compile_context>
chip_gen: v7x
topology: tpu7x:2x2x1
jax: 0.10.2.dev20260603
libtpu: 0.0.44.dev20260713+nightly
codegen_flags: <defaults>
</compile_context>

<pallas_src>
import functools

import jax
import jax.numpy as jnp
from jax import lax
from jax.experimental import pallas as pl
from jax.experimental.pallas import tpu as pltpu
from jax.experimental.pallas import tpu_sc as plsc

_C = 5000
_SPAN = 1568


def _lrelu(x):
    return jnp.where(x >= 0, x, 0.01 * x)


def _scores_body(nseg, node_ref, seg_ref, sn_ref, w2_ref, ba_ref, w1_ref,
                 e_ref, denom_ref, a_ref, t_scr):
    i = pl.program_id(0)

    @pl.when(i == 0)
    def _init():
        sn = _lrelu(sn_ref[...])
        t = (jax.lax.dot_general(sn, w2_ref[...], (((1,), (0,)), ((), ())))
             + ba_ref[0, 0])
        t_scr[...] = jnp.transpose(t)
        denom_ref[...] = jnp.zeros_like(denom_ref)
        a_ref[...] = jnp.zeros_like(a_ref)

    seg = seg_ref[0]
    mask = jax.lax.broadcasted_iota(jnp.int32, (nseg, _C), 0) == seg
    p = mask.astype(jnp.float32)

    t_g = jax.lax.dot_general(t_scr[...], p,
                              (((1,), (0,)), ((), ())))
    s1 = jax.lax.dot_general(node_ref[...], w1_ref[...],
                             (((1,), (0,)), ((), ())))
    e = jnp.exp(_lrelu(jnp.transpose(s1) + t_g))
    e_ref[0] = e
    pe = jnp.where(mask, e, 0.0)
    denom_ref[...] += jnp.sum(pe, axis=1, keepdims=True)
    a_ref[...] += jnp.dot(pe, node_ref[...],
                          preferred_element_type=jnp.float32)


def _sc_attn_body(n, nseg, e_hbm, seg_hbm, den_hbm, attn_hbm,
                  e_v, seg_v, den_v, rd_v, attn_v):
    wid = lax.axis_index("s") * 2 + lax.axis_index("c")
    base = jnp.minimum(wid * _SPAN, n - _SPAN)
    pltpu.sync_copy(seg_hbm.at[pl.ds(base, _SPAN)], seg_v)
    pltpu.sync_copy(e_hbm.at[pl.ds(base, _SPAN)], e_v)
    pltpu.sync_copy(den_hbm.at[pl.ds(0, nseg)], den_v)

    def _rd(g, _):
        dv = den_v[pl.ds(g * 16, 16)]
        rd_v[pl.ds(g * 16, 16)] = jnp.where(dv > 0, 1.0 / dv, 0.0)
        return 0

    lax.fori_loop(0, nseg // 16, _rd, 0, unroll=4)

    def _grp(g, _):
        sl = pl.ds(g * 16, 16)
        r = plsc.load_gather(rd_v, [seg_v[sl]])
        attn_v[sl] = e_v[sl] * r
        return 0

    lax.fori_loop(0, _SPAN // 16, _grp, 0, unroll=4)
    pltpu.sync_copy(attn_v, attn_hbm.at[pl.ds(base, _SPAN)])


def _head_body(d, a_ref, denom_ref, sn_ref, watt_ref, batt_ref,
               wih_ref, whh_ref, bih_ref, bhh_ref, out_ref):
    sn = _lrelu(sn_ref[...])
    dn = denom_ref[...]
    ind = (dn > 0).astype(jnp.float32)
    rd = 1.0 / jnp.where(dn > 0, dn, 1.0)
    a = a_ref[...] * rd
    ctx = (jax.lax.dot_general(a, watt_ref[...], (((1,), (1,)), ((), ())))
           + batt_ref[...] * ind)
    ctx = jnp.where(ctx > 0, ctx, jnp.exp(jnp.minimum(ctx, 0.0)) - 1.0)
    gi = jax.lax.dot_general(ctx, wih_ref[...],
                             (((1,), (1,)), ((), ()))) + bih_ref[...]
    gh = jax.lax.dot_general(sn, whh_ref[...],
                             (((1,), (1,)), ((), ()))) + bhh_ref[...]
    i_r, i_z, i_n = gi[:, :d], gi[:, d:2 * d], gi[:, 2 * d:]
    h_r, h_z, h_n = gh[:, :d], gh[:, d:2 * d], gh[:, 2 * d:]
    r = jax.nn.sigmoid(i_r + h_r)
    z = jax.nn.sigmoid(i_z + h_z)
    n = jnp.tanh(i_n + r * h_n)
    h = (1.0 - z) * n + z * sn
    out_ref[...] = jnp.maximum(h, 0.0)


def kernel(node, super_node, segment_ids, W_align, b_align, W_att, b_att,
           W_ih, W_hh, b_ih, b_hh):
    n, d = node.shape
    nseg = super_node.shape[0]
    chunks = n // _C
    assert chunks * _C == n

    seg_i32 = segment_ids.astype(jnp.int32)
    seg3 = seg_i32.reshape(chunks, 1, _C)
    w1 = W_align[0, :d].reshape(d, 1)
    w2 = W_align[0, d:].reshape(d, 1)
    ba = b_align.reshape(1, 1)

    f32 = jnp.float32
    e, denom, a = pl.pallas_call(
        lambda *refs: _scores_body(nseg, *refs),
        grid=(chunks,),
        in_specs=[
            pl.BlockSpec((_C, d), lambda i: (i, 0)),
            pl.BlockSpec((1, 1, _C), lambda i: (i, 0, 0)),
            pl.BlockSpec((nseg, d), lambda i: (0, 0)),
            pl.BlockSpec((d, 1), lambda i: (0, 0)),
            pl.BlockSpec((1, 1), lambda i: (0, 0)),
            pl.BlockSpec((d, 1), lambda i: (0, 0)),
        ],
        out_specs=[
            pl.BlockSpec((1, 1, _C), lambda i: (i, 0, 0)),
            pl.BlockSpec((nseg, 1), lambda i: (0, 0)),
            pl.BlockSpec((nseg, d), lambda i: (0, 0)),
        ],
        out_shape=[
            jax.ShapeDtypeStruct((chunks, 1, _C), f32),
            jax.ShapeDtypeStruct((nseg, 1), f32),
            jax.ShapeDtypeStruct((nseg, d), f32),
        ],
        scratch_shapes=[pltpu.VMEM((1, nseg), f32)],
    )(node, seg3, super_node, w2, ba, w1)

    mesh = plsc.VectorSubcoreMesh(core_axis_name="c", subcore_axis_name="s")
    sc_attn = functools.partial(
        pl.kernel,
        mesh=mesh,
        out_type=jax.ShapeDtypeStruct((n,), f32),
        scratch_types=[
            pltpu.VMEM((_SPAN,), f32),
            pltpu.VMEM((_SPAN,), jnp.int32),
            pltpu.VMEM((nseg,), f32),
            pltpu.VMEM((nseg,), f32),
            pltpu.VMEM((_SPAN,), f32),
        ],
        compiler_params=pltpu.CompilerParams(needs_layout_passes=False),
    )(lambda *refs: _sc_attn_body(n, nseg, *refs))
    attn = sc_attn(e.reshape(n), seg_i32, denom.reshape(nseg))
    attn = attn.reshape(n, 1)

    out = pl.pallas_call(
        lambda *refs: _head_body(d, *refs),
        in_specs=[pl.BlockSpec(s.shape, lambda: (0,) * len(s.shape))
                  for s in (a, denom, super_node, W_att,
                            b_att.reshape(1, d), W_ih, W_hh,
                            b_ih.reshape(1, 3 * d), b_hh.reshape(1, 3 * d))],
        out_specs=pl.BlockSpec((nseg, d), lambda: (0, 0)),
        out_shape=jax.ShapeDtypeStruct((nseg, d), f32),
    )(a, denom, super_node, W_att, b_att.reshape(1, d), W_ih, W_hh,
      b_ih.reshape(1, 3 * d), b_hh.reshape(1, 3 * d))

    return out, attn

# --- scband reference (transcript-rebuilt; emitter-appended) ---
"""Pipeline reference for scband-mol-afplayer-18820546691272 (READ-ONLY COPY).

The authoritative reference and input builder live on the scoring server;
editing this copy changes nothing except your own understanding.
"""

import jax, jax.numpy as jnp
import numpy as np

N = 50000
B = 1024
D = 256


def setup_inputs(seed: int = 0) -> dict:
    key = jax.random.key(seed)
    ks = [jax.random.fold_in(key, i) for i in range(12)]
    s = 1.0 / np.sqrt(D)
    node = jax.random.normal(ks[0], (N, D), dtype=jnp.float32)
    super_node = jax.random.normal(ks[1], (B, D), dtype=jnp.float32)
    segment_ids = jnp.sort(jax.random.randint(ks[2], (N,), 0, B)).astype(jnp.int64)
    W_align = jax.random.normal(ks[3], (1, 2 * D), dtype=jnp.float32) * s
    b_align = jax.random.normal(ks[4], (1,), dtype=jnp.float32) * s
    W_att = jax.random.normal(ks[5], (D, D), dtype=jnp.float32) * s
    b_att = jax.random.normal(ks[6], (D,), dtype=jnp.float32) * s
    W_ih = jax.random.normal(ks[7], (3 * D, D), dtype=jnp.float32) * s
    W_hh = jax.random.normal(ks[8], (3 * D, D), dtype=jnp.float32) * s
    b_ih = jax.random.normal(ks[9], (3 * D,), dtype=jnp.float32) * s
    b_hh = jax.random.normal(ks[10], (3 * D,), dtype=jnp.float32) * s
    return {"node": node, "super_node": super_node, "segment_ids": segment_ids,
            "W_align": W_align, "b_align": b_align, "W_att": W_att, "b_att": b_att,
            "W_ih": W_ih, "W_hh": W_hh, "b_ih": b_ih, "b_hh": b_hh}


def reference(node, super_node, segment_ids, W_align, b_align, W_att, b_att, W_ih, W_hh, b_ih, b_hh):
    nseg = super_node.shape[0]
    # super_node = F.leaky_relu(super_node)
    sn = jax.nn.leaky_relu(super_node, 0.01)
    # dgl.broadcast_nodes: gather per-graph super node to each node
    sn_b = sn[segment_ids]
    # cal_alignment: Linear(2D -> 1) + LeakyReLU
    score = jnp.concatenate([node, sn_b], axis=1) @ W_align.T + b_align
    score = jax.nn.leaky_relu(score, 0.01)
    # dgl.softmax_nodes: per-graph softmax over nodes
    smax = jax.ops.segment_max(score, segment_ids, num_segments=nseg)
    score_exp = jnp.exp(score - smax[segment_ids])
    denom = jax.ops.segment_sum(score_exp, segment_ids, num_segments=nseg)
    attn = score_exp / denom[segment_ids]
    # attend: Dropout (identity in eval) + Linear(D -> D)
    hidden = node @ W_att.T + b_att
    # dgl.sum_nodes weighted by attention, then elu
    ctx = jax.ops.segment_sum(hidden * attn, segment_ids, num_segments=nseg)
    ctx = jax.nn.elu(ctx)
    # GRUCell(ctx, sn)
    gi = ctx @ W_ih.T + b_ih
    gh = sn @ W_hh.T + b_hh
    i_r, i_z, i_n = jnp.split(gi, 3, axis=1)
    h_r, h_z, h_n = jnp.split(gh, 3, axis=1)
    r = jax.nn.sigmoid(i_r + h_r)
    z = jax.nn.sigmoid(i_z + h_z)
    n = jnp.tanh(i_n + r * h_n)
    h_new = (1.0 - z) * n + z * sn
    return jax.nn.relu(h_new), attn

if __name__ == "__main__":
    import jax
    _d = setup_inputs()
    print(jax.jit(kernel)(*tuple(_d.values())))

</pallas_src>

<mosaic_0001>
#map = affine_map<(d0, d1) -> (0)>
module attributes {stable_mosaic.version = 14 : i64} {
  func.func @_lambda_(%arg0: i32, %arg1: i32, %arg2: memref<50000xf32, #tpu.memory_space<hbm>>, %arg3: memref<50000xi32, #tpu.memory_space<hbm>>, %arg4: memref<1024xf32, #tpu.memory_space<hbm>>, %arg5: memref<50000xf32, #tpu.memory_space<hbm>>, %arg6: memref<1568xf32, #tpu.memory_space<vmem>>, %arg7: memref<1568xi32, #tpu.memory_space<vmem>>, %arg8: memref<1024xf32, #tpu.memory_space<vmem>>, %arg9: memref<1024xf32, #tpu.memory_space<vmem>>, %arg10: memref<1568xf32, #tpu.memory_space<vmem>>) attributes {dimension_semantics = [#tpu.dimension_semantics<core_parallel>, #tpu.dimension_semantics<subcore_parallel>], iteration_bounds = array<i64: 2, 16>, scalar_prefetch = 0 : i64, scratch_operands = 5 : i64, tpu.core_type = #tpu.core_type<sc_vector_subcore>, window_params = [{transform_indices = #map}, {transform_indices = #map}, {transform_indices = #map}, {transform_indices = #map}]} {
    %mul3A = arith.constant 2 : i32
    %mul3A_0 = arith.muli %arg1, %mul3A : i32
    %add3A = arith.addi %mul3A_0, %arg0 : i32
    %mul3A_1 = arith.constant 1568 : i32
    %mul3A_2 = arith.muli %add3A, %mul3A_1 : i32
    %min3A = arith.constant 48432 : i32
    %min3A_3 = arith.minsi %mul3A_2, %min3A : i32
    "tpu.region"() ({
      %run_scoped3A = tpu.sem_alloc : memref<!tpu.dma_semaphore, #tpu.memory_space<semaphore_mem>>
      %dma_start3A = tpu.memref_slice %arg3[%min3A_3] : memref<50000xi32, #tpu.memory_space<hbm>> -> memref<1568xi32, #tpu.memory_space<hbm>>
      %dma_start3A_40 = tpu.memref_slice %arg3[%min3A_3] : memref<50000xi32, #tpu.memory_space<hbm>> -> memref<1568xi32, #tpu.memory_space<hbm>>
      tpu.enqueue_dma source(%dma_start3A_40 : memref<1568xi32, #tpu.memory_space<hbm>>) target(%arg7 : memref<1568xi32, #tpu.memory_space<vmem>>) target_semaphore(%run_scoped3A : memref<!tpu.dma_semaphore, #tpu.memory_space<semaphore_mem>>)
      %dma_wait3A = tpu.memref_slice %arg3[%min3A_3] : memref<50000xi32, #tpu.memory_space<hbm>> -> memref<1568xi32, #tpu.memory_space<hbm>>
      %dma_wait3A_41 = tpu.memref_slice %arg3[%min3A_3] : memref<50000xi32, #tpu.memory_space<hbm>> -> memref<1568xi32, #tpu.memory_space<hbm>>
      tpu.wait_dma2 semaphore(%run_scoped3A : memref<!tpu.dma_semaphore, #tpu.memory_space<semaphore_mem>>) src(%dma_wait3A_41 : memref<1568xi32, #tpu.memory_space<hbm>>) dst(%arg7 : memref<1568xi32, #tpu.memory_space<vmem>>)
      tpu.yield
    }) : () -> ()
    "tpu.region"() ({
      %run_scoped3A = tpu.sem_alloc : memref<!tpu.dma_semaphore, #tpu.memory_space<semaphore_mem>>
      %dma_start3A = tpu.memref_slice %arg2[%min3A_3] : memref<50000xf32, #tpu.memory_space<hbm>> -> memref<1568xf32, #tpu.memory_space<hbm>>
      %dma_start3A_40 = tpu.memref_slice %arg2[%min3A_3] : memref<50000xf32, #tpu.memory_space<hbm>> -> memref<1568xf32, #tpu.memory_space<hbm>>
      tpu.enqueue_dma source(%dma_start3A_40 : memref<1568xf32, #tpu.memory_space<hbm>>) target(%arg6 : memref<1568xf32, #tpu.memory_space<vmem>>) target_semaphore(%run_scoped3A : memref<!tpu.dma_semaphore, #tpu.memory_space<semaphore_mem>>)
      %dma_wait3A = tpu.memref_slice %arg2[%min3A_3] : memref<50000xf32, #tpu.memory_space<hbm>> -> memref<1568xf32, #tpu.memory_space<hbm>>
      %dma_wait3A_41 = tpu.memref_slice %arg2[%min3A_3] : memref<50000xf32, #tpu.memory_space<hbm>> -> memref<1568xf32, #tpu.memory_space<hbm>>
      tpu.wait_dma2 semaphore(%run_scoped3A : memref<!tpu.dma_semaphore, #tpu.memory_space<semaphore_mem>>) src(%dma_wait3A_41 : memref<1568xf32, #tpu.memory_space<hbm>>) dst(%arg6 : memref<1568xf32, #tpu.memory_space<vmem>>)
      tpu.yield
    }) : () -> ()
    "tpu.region"() ({
      %run_scoped3A = tpu.sem_alloc : memref<!tpu.dma_semaphore, #tpu.memory_space<semaphore_mem>>
      %dma_start3A = arith.constant 0 : i32
      %dma_start3A_40 = tpu.memref_slice %arg4[%dma_start3A] : memref<1024xf32, #tpu.memory_space<hbm>> -> memref<1024xf32, #tpu.memory_space<hbm>>
      %dma_start3A_41 = arith.constant 0 : i32
      %dma_start3A_42 = tpu.memref_slice %arg4[%dma_start3A_41] : memref<1024xf32, #tpu.memory_space<hbm>> -> memref<1024xf32, #tpu.memory_space<hbm>>
      tpu.enqueue_dma source(%dma_start3A_42 : memref<1024xf32, #tpu.memory_space<hbm>>) target(%arg8 : memref<1024xf32, #tpu.memory_space<vmem>>) target_semaphore(%run_scoped3A : memref<!tpu.dma_semaphore, #tpu.memory_space<semaphore_mem>>)
      %dma_wait3A = arith.constant 0 : i32
      %dma_wait3A_43 = tpu.memref_slice %arg4[%dma_wait3A] : memref<1024xf32, #tpu.memory_space<hbm>> -> memref<1024xf32, #tpu.memory_space<hbm>>
      %dma_wait3A_44 = arith.constant 0 : i32
      %dma_wait3A_45 = tpu.memref_slice %arg4[%dma_wait3A_44] : memref<1024xf32, #tpu.memory_space<hbm>> -> memref<1024xf32, #tpu.memory_space<hbm>>
      tpu.wait_dma2 semaphore(%run_scoped3A : memref<!tpu.dma_semaphore, #tpu.memory_space<semaphore_mem>>) src(%dma_wait3A_45 : memref<1024xf32, #tpu.memory_space<hbm>>) dst(%arg8 : memref<1024xf32, #tpu.memory_space<vmem>>)
      tpu.yield
    }) : () -> ()
    %scan3A = arith.constant 0 : i32
    %scan3A_4 = arith.constant 0 : i32
    %scan3A_5 = arith.constant 64 : i32
    %scan3A_6 = arith.addi %scan3A_4, %scan3A_5 : i32
    %scan3A_7 = arith.constant 4 : i32
    %scan3A_8 = scf.for %scan3A_40 = %scan3A_4 to %scan3A_6 step %scan3A_7 iter_args(%scan3A_41 = %scan3A) -> (i32)  : i32 {
      %mul3A_42 = arith.constant 16 : i32
      %mul3A_43 = arith.muli %scan3A_40, %mul3A_42 : i32
      %get3A_44 = arith.index_cast %mul3A_43 : i32 to index
      %get3A_45 = tpu.vector_load %arg8[%get3A_44] {strides = array<i32>} : memref<1024xf32, #tpu.memory_space<vmem>>, vector<16xf32>,
      %gt3A = arith.constant 0.000000e+00 : f32
      %gt3A_46 = vector.broadcast %gt3A : f32 to vector<16xf32>
      %gt3A_47 = arith.cmpf ogt, %get3A_45, %gt3A_46 : vector<16xf32>
      %div3A = arith.constant 1.000000e+00 : f32
      %div3A_48 = vector.broadcast %div3A : f32 to vector<16xf32>
      %div3A_49 = arith.divf %div3A_48, %get3A_45 : vector<16xf32>
      %jit3A = arith.constant 0.000000e+00 : f32
      %broadcast_in_dim3A = vector.broadcast %jit3A : f32 to vector<16xf32>
      %select_n3A = arith.select %gt3A_47, %div3A_49, %broadcast_in_dim3A : vector<16xi1>, vector<16xf32>
      %mul3A_50 = arith.constant 16 : i32
      %mul3A_51 = arith.muli %scan3A_40, %mul3A_50 : i32
      %swap3A_52 = arith.index_cast %mul3A_51 : i32 to index
      %swap3A_53 = tpu.vector_load %arg9[%swap3A_52] {strides = array<i32>} : memref<1024xf32, #tpu.memory_space<vmem>>, vector<16xf32>,
      tpu.vector_store %arg9[%swap3A_52], %select_n3A {strides = array<i32>} : memref<1024xf32, #tpu.memory_space<vmem>>, vector<16xf32>,
      %scan3A_54 = arith.constant 0 : i32
      %scan3A_55 = arith.constant 1 : i32
      %scan3A_56 = arith.addi %scan3A_40, %scan3A_55 : i32
      %mul3A_57 = arith.constant 16 : i32
      %mul3A_58 = arith.muli %scan3A_56, %mul3A_57 : i32
      %get3A_59 = arith.index_cast %mul3A_58 : i32 to index
      %get3A_60 = tpu.vector_load %arg8[%get3A_59] {strides = array<i32>} : memref<1024xf32, #tpu.memory_space<vmem>>, vector<16xf32>,
      %gt3A_61 = arith.constant 0.000000e+00 : f32
      %gt3A_62 = vector.broadcast %gt3A_61 : f32 to vector<16xf32>
      %gt3A_63 = arith.cmpf ogt, %get3A_60, %gt3A_62 : vector<16xf32>
      %div3A_64 = arith.constant 1.000000e+00 : f32
      %div3A_65 = vector.broadcast %div3A_64 : f32 to vector<16xf32>
      %div3A_66 = arith.divf %div3A_65, %get3A_60 : vector<16xf32>
      %jit3A_67 = arith.constant 0.000000e+00 : f32
      %broadcast_in_dim3A_68 = vector.broadcast %jit3A_67 : f32 to vector<16xf32>
      %select_n3A_69 = arith.select %gt3A_63, %div3A_66, %broadcast_in_dim3A_68 : vector<16xi1>, vector<16xf32>
      %mul3A_70 = arith.constant 16 : i32
      %mul3A_71 = arith.muli %scan3A_56, %mul3A_70 : i32
      %swap3A_72 = arith.index_cast %mul3A_71 : i32 to index
      %swap3A_73 = tpu.vector_load %arg9[%swap3A_72] {strides = array<i32>} : memref<1024xf32, #tpu.memory_space<vmem>>, vector<16xf32>,
      tpu.vector_store %arg9[%swap3A_72], %select_n3A_69 {strides = array<i32>} : memref<1024xf32, #tpu.memory_space<vmem>>, vector<16xf32>,
      %scan3A_74 = arith.constant 0 : i32
      %scan3A_75 = arith.constant 2 : i32
      %scan3A_76 = arith.addi %scan3A_40, %scan3A_75 : i32
      %mul3A_77 = arith.constant 16 : i32
      %mul3A_78 = arith.muli %scan3A_76, %mul3A_77 : i32
      %get3A_79 = arith.index_cast %mul3A_78 : i32 to index
      %get3A_80 = tpu.vector_load %arg8[%get3A_79] {strides = array<i32>} : memref<1024xf32, #tpu.memory_space<vmem>>, vector<16xf32>,
      %gt3A_81 = arith.constant 0.000000e+00 : f32
      %gt3A_82 = vector.broadcast %gt3A_81 : f32 to vector<16xf32>
      %gt3A_83 = arith.cmpf ogt, %get3A_80, %gt3A_82 : vector<16xf32>
      %div3A_84 = arith.constant 1.000000e+00 : f32
      %div3A_85 = vector.broadcast %div3A_84 : f32 to vector<16xf32>
      %div3A_86 = arith.divf %div3A_85, %get3A_80 : vector<16xf32>
      %jit3A_87 = arith.constant 0.000000e+00 : f32
      %broadcast_in_dim3A_88 = vector.broadcast %jit3A_87 : f32 to vector<16xf32>
      %select_n3A_89 = arith.select %gt3A_83, %div3A_86, %broadcast_in_dim3A_88 : vector<16xi1>, vector<16xf32>
      %mul3A_90 = arith.constant 16 : i32
      %mul3A_91 = arith.muli %scan3A_76, %mul3A_90 : i32
      %swap3A_92 = arith.index_cast %mul3A_91 : i32 to index
      %swap3A_93 = tpu.vector_load %arg9[%swap3A_92] {strides = array<i32>} : memref<1024xf32, #tpu.memory_space<vmem>>, vector<16xf32>,
      tpu.vector_store %arg9[%swap3A_92], %select_n3A_89 {strides = array<i32>} : memref<1024xf32, #tpu.memory_space<vmem>>, vector<16xf32>,
      %scan3A_94 = arith.constant 0 : i32
      %scan3A_95 = arith.constant 3 : i32
      %scan3A_96 = arith.addi %scan3A_40, %scan3A_95 : i32
      %mul3A_97 = arith.constant 16 : i32
      %mul3A_98 = arith.muli %scan3A_96, %mul3A_97 : i32
      %get3A_99 = arith.index_cast %mul3A_98 : i32 to index
      %get3A_100 = tpu.vector_load %arg8[%get3A_99] {strides = array<i32>} : memref<1024xf32, #tpu.memory_space<vmem>>, vector<16xf32>,
      %gt3A_101 = arith.constant 0.000000e+00 : f32
      %gt3A_102 = vector.broadcast %gt3A_101 : f32 to vector<16xf32>
      %gt3A_103 = arith.cmpf ogt, %get3A_100, %gt3A_102 : vector<16xf32>
      %div3A_104 = arith.constant 1.000000e+00 : f32
      %div3A_105 = vector.broadcast %div3A_104 : f32 to vector<16xf32>
      %div3A_106 = arith.divf %div3A_105, %get3A_100 : vector<16xf32>
      %jit3A_107 = arith.constant 0.000000e+00 : f32
      %broadcast_in_dim3A_108 = vector.broadcast %jit3A_107 : f32 to vector<16xf32>
      %select_n3A_109 = arith.select %gt3A_103, %div3A_106, %broadcast_in_dim3A_108 : vector<16xi1>, vector<16xf32>
      %mul3A_110 = arith.constant 16 : i32
      %mul3A_111 = arith.muli %scan3A_96, %mul3A_110 : i32
      %swap3A_112 = arith.index_cast %mul3A_111 : i32 to index
      %swap3A_113 = tpu.vector_load %arg9[%swap3A_112] {strides = array<i32>} : memref<1024xf32, #tpu.memory_space<vmem>>, vector<16xf32>,
      tpu.vector_store %arg9[%swap3A_112], %select_n3A_109 {strides = array<i32>} : memref<1024xf32, #tpu.memory_space<vmem>>, vector<16xf32>,
      %scan3A_114 = arith.constant 0 : i32
      scf.yield %scan3A_114 : i32
    }
    %scan3A_9 = arith.constant 64 : i32
    %scan3A_10 = arith.constant 0 : i32
    %scan3A_11 = arith.constant 0 : i32
    %scan3A_12 = arith.constant 96 : i32
    %scan3A_13 = arith.addi %scan3A_11, %scan3A_12 : i32
    %scan3A_14 = arith.constant 4 : i32
    %scan3A_15 = scf.for %scan3A_40 = %scan3A_11 to %scan3A_13 step %scan3A_14 iter_args(%scan3A_41 = %scan3A_10) -> (i32)  : i32 {
      %mul3A_42 = arith.constant 16 : i32
      %mul3A_43 = arith.muli %scan3A_40, %mul3A_42 : i32
      %get3A_44 = arith.index_cast %mul3A_43 : i32 to index
      %get3A_45 = tpu.vector_load %arg7[%get3A_44] {strides = array<i32>} : memref<1568xi32, #tpu.memory_space<vmem>>, vector<16xi32>,
      %gather3A_46 = tpu.vector_load_idx %arg9[%get3A_45] : memref<1024xf32, #tpu.memory_space<vmem>>[vector<16xi32>], vector<16xf32>,
      %get3A_47 = arith.index_cast %mul3A_43 : i32 to index
      %get3A_48 = tpu.vector_load %arg6[%get3A_47] {strides = array<i32>} : memref<1568xf32, #tpu.memory_space<vmem>>, vector<16xf32>,
      %mul3A_49 = arith.mulf %get3A_48, %gather3A_46 : vector<16xf32>
      %swap3A_50 = arith.index_cast %mul3A_43 : i32 to index
      %swap3A_51 = tpu.vector_load %arg10[%swap3A_50] {strides = array<i32>} : memref<1568xf32, #tpu.memory_space<vmem>>, vector<16xf32>,
      tpu.vector_store %arg10[%swap3A_50], %mul3A_49 {strides = array<i32>} : memref<1568xf32, #tpu.memory_space<vmem>>, vector<16xf32>,
      %scan3A_52 = arith.constant 0 : i32
      %scan3A_53 = arith.constant 1 : i32
      %scan3A_54 = arith.addi %scan3A_40, %scan3A_53 : i32
      %mul3A_55 = arith.constant 16 : i32
      %mul3A_56 = arith.muli %scan3A_54, %mul3A_55 : i32
      %get3A_57 = arith.index_cast %mul3A_56 : i32 to index
      %get3A_58 = tpu.vector_load %arg7[%get3A_57] {strides = array<i32>} : memref<1568xi32, #tpu.memory_space<vmem>>, vector<16xi32>,
      %gather3A_59 = tpu.vector_load_idx %arg9[%get3A_58] : memref<1024xf32, #tpu.memory_space<vmem>>[vector<16xi32>], vector<16xf32>,
      %get3A_60 = arith.index_cast %mul3A_56 : i32 to index
      %get3A_61 = tpu.vector_load %arg6[%get3A_60] {strides = array<i32>} : memref<1568xf32, #tpu.memory_space<vmem>>, vector<16xf32>,
      %mul3A_62 = arith.mulf %get3A_61, %gather3A_59 : vector<16xf32>
      %swap3A_63 = arith.index_cast %mul3A_56 : i32 to index
      %swap3A_64 = tpu.vector_load %arg10[%swap3A_63] {strides = array<i32>} : memref<1568xf32, #tpu.memory_space<vmem>>, vector<16xf32>,
      tpu.vector_store %arg10[%swap3A_63], %mul3A_62 {strides = array<i32>} : memref<1568xf32, #tpu.memory_space<vmem>>, vector<16xf32>,
      %scan3A_65 = arith.constant 0 : i32
      %scan3A_66 = arith.constant 2 : i32
      %scan3A_67 = arith.addi %scan3A_40, %scan3A_66 : i32
      %mul3A_68 = arith.constant 16 : i32
      %mul3A_69 = arith.muli %scan3A_67, %mul3A_68 : i32
      %get3A_70 = arith.index_cast %mul3A_69 : i32 to index
      %get3A_71 = tpu.vector_load %arg7[%get3A_70] {strides = array<i32>} : memref<1568xi32, #tpu.memory_space<vmem>>, vector<16xi32>,
      %gather3A_72 = tpu.vector_load_idx %arg9[%get3A_71] : memref<1024xf32, #tpu.memory_space<vmem>>[vector<16xi32>], vector<16xf32>,
      %get3A_73 = arith.index_cast %mul3A_69 : i32 to index
      %get3A_74 = tpu.vector_load %arg6[%get3A_73] {strides = array<i32>} : memref<1568xf32, #tpu.memory_space<vmem>>, vector<16xf32>,
      %mul3A_75 = arith.mulf %get3A_74, %gather3A_72 : vector<16xf32>
      %swap3A_76 = arith.index_cast %mul3A_69 : i32 to index
      %swap3A_77 = tpu.vector_load %arg10[%swap3A_76] {strides = array<i32>} : memref<1568xf32, #tpu.memory_space<vmem>>, vector<16xf32>,
      tpu.vector_store %arg10[%swap3A_76], %mul3A_75 {strides = array<i32>} : memref<1568xf32, #tpu.memory_space<vmem>>, vector<16xf32>,
      %scan3A_78 = arith.constant 0 : i32
      %scan3A_79 = arith.constant 3 : i32
      %scan3A_80 = arith.addi %scan3A_40, %scan3A_79 : i32
      %mul3A_81 = arith.constant 16 : i32
      %mul3A_82 = arith.muli %scan3A_80, %mul3A_81 : i32
      %get3A_83 = arith.index_cast %mul3A_82 : i32 to index
      %get3A_84 = tpu.vector_load %arg7[%get3A_83] {strides = array<i32>} : memref<1568xi32, #tpu.memory_space<vmem>>, vector<16xi32>,
      %gather3A_85 = tpu.vector_load_idx %arg9[%get3A_84] : memref<1024xf32, #tpu.memory_space<vmem>>[vector<16xi32>], vector<16xf32>,
      %get3A_86 = arith.index_cast %mul3A_82 : i32 to index
      %get3A_87 = tpu.vector_load %arg6[%get3A_86] {strides = array<i32>} : memref<1568xf32, #tpu.memory_space<vmem>>, vector<16xf32>,
      %mul3A_88 = arith.mulf %get3A_87, %gather3A_85 : vector<16xf32>
      %swap3A_89 = arith.index_cast %mul3A_82 : i32 to index
      %swap3A_90 = tpu.vector_load %arg10[%swap3A_89] {strides = array<i32>} : memref<1568xf32, #tpu.memory_space<vmem>>, vector<16xf32>,
      tpu.vector_store %arg10[%swap3A_89], %mul3A_88 {strides = array<i32>} : memref<1568xf32, #tpu.memory_space<vmem>>, vector<16xf32>,
      %scan3A_91 = arith.constant 0 : i32
      scf.yield %scan3A_91 : i32
    }
    %scan3A_16 = arith.constant 96 : i32
    %scan3A_17 = arith.addi %scan3A_11, %scan3A_16 : i32
    %mul3A_18 = arith.constant 16 : i32
    %mul3A_19 = arith.muli %scan3A_17, %mul3A_18 : i32
    %get3A = arith.index_cast %mul3A_19 : i32 to index
    %get3A_20 = tpu.vector_load %arg7[%get3A] {strides = array<i32>} : memref<1568xi32, #tpu.memory_space<vmem>>, vector<16xi32>,
    %gather3A = tpu.vector_load_idx %arg9[%get3A_20] : memref<1024xf32, #tpu.memory_space<vmem>>[vector<16xi32>], vector<16xf32>,
    %get3A_21 = arith.index_cast %mul3A_19 : i32 to index
    %get3A_22 = tpu.vector_load %arg6[%get3A_21] {strides = array<i32>} : memref<1568xf32, #tpu.memory_space<vmem>>, vector<16xf32>,
    %mul3A_23 = arith.mulf %get3A_22, %gather3A : vector<16xf32>
    %swap3A = arith.index_cast %mul3A_19 : i32 to index
    %swap3A_24 = tpu.vector_load %arg10[%swap3A] {strides = array<i32>} : memref<1568xf32, #tpu.memory_space<vmem>>, vector<16xf32>,
    tpu.vector_store %arg10[%swap3A], %mul3A_23 {strides = array<i32>} : memref<1568xf32, #tpu.memory_space<vmem>>, vector<16xf32>,
    %scan3A_25 = arith.constant 0 : i32
    %scan3A_26 = arith.constant 97 : i32
    %scan3A_27 = arith.addi %scan3A_11, %scan3A_26 : i32
    %mul3A_28 = arith.constant 16 : i32
    %mul3A_29 = arith.muli %scan3A_27, %mul3A_28 : i32
    %get3A_30 = arith.index_cast %mul3A_29 : i32 to index
    %get3A_31 = tpu.vector_load %arg7[%get3A_30] {strides = array<i32>} : memref<1568xi32, #tpu.memory_space<vmem>>, vector<16xi32>,
    %gather3A_32 = tpu.vector_load_idx %arg9[%get3A_31] : memref<1024xf32, #tpu.memory_space<vmem>>[vector<16xi32>], vector<16xf32>,
    %get3A_33 = arith.index_cast %mul3A_29 : i32 to index
    %get3A_34 = tpu.vector_load %arg6[%get3A_33] {strides = array<i32>} : memref<1568xf32, #tpu.memory_space<vmem>>, vector<16xf32>,
    %mul3A_35 = arith.mulf %get3A_34, %gather3A_32 : vector<16xf32>
    %swap3A_36 = arith.index_cast %mul3A_29 : i32 to index
    %swap3A_37 = tpu.vector_load %arg10[%swap3A_36] {strides = array<i32>} : memref<1568xf32, #tpu.memory_space<vmem>>, vector<16xf32>,
    tpu.vector_store %arg10[%swap3A_36], %mul3A_35 {strides = array<i32>} : memref<1568xf32, #tpu.memory_space<vmem>>, vector<16xf32>,
    %scan3A_38 = arith.constant 0 : i32
    %scan3A_39 = arith.constant 98 : i32
    "tpu.region"() ({
      %run_scoped3A = tpu.sem_alloc : memref<!tpu.dma_semaphore, #tpu.memory_space<semaphore_mem>>
      %dma_start3A = tpu.memref_slice %arg5[%min3A_3] : memref<50000xf32, #tpu.memory_space<hbm>> -> memref<1568xf32, #tpu.memory_space<hbm>>
      %dma_start3A_40 = tpu.memref_slice %arg5[%min3A_3] : memref<50000xf32, #tpu.memory_space<hbm>> -> memref<1568xf32, #tpu.memory_space<hbm>>
      tpu.enqueue_dma source(%arg10 : memref<1568xf32, #tpu.memory_space<vmem>>) target(%dma_start3A_40 : memref<1568xf32, #tpu.memory_space<hbm>>) target_semaphore(%run_scoped3A : memref<!tpu.dma_semaphore, #tpu.memory_space<semaphore_mem>>)
      %dma_wait3A = tpu.memref_slice %arg5[%min3A_3] : memref<50000xf32, #tpu.memory_space<hbm>> -> memref<1568xf32, #tpu.memory_space<hbm>>
      %dma_wait3A_41 = tpu.memref_slice %arg5[%min3A_3] : memref<50000xf32, #tpu.memory_space<hbm>> -> memref<1568xf32, #tpu.memory_space<hbm>>
      tpu.wait_dma2 semaphore(%run_scoped3A : memref<!tpu.dma_semaphore, #tpu.memory_space<semaphore_mem>>) src(%arg10 : memref<1568xf32, #tpu.memory_space<vmem>>) dst(%dma_wait3A_41 : memref<1568xf32, #tpu.memory_space<hbm>>)
      tpu.yield
    }) : () -> ()
    return
  }
}

module attributes {stable_mosaic.version = 14 : i64} {
  func.func @_lambda_(%arg0: i32, %arg1: memref<5000x256xf32, #tpu.memory_space<vmem>>, %arg2: memref<1x1x5000xi32, #tpu.memory_space<vmem>>, %arg3: memref<1024x256xf32, #tpu.memory_space<vmem>>, %arg4: memref<256x1xf32, #tpu.memory_space<vmem>>, %arg5: memref<1x1xf32, #tpu.memory_space<vmem>>, %arg6: memref<256x1xf32, #tpu.memory_space<vmem>>, %arg7: memref<1x1x5000xf32, #tpu.memory_space<vmem>>, %arg8: memref<1024x1xf32, #tpu.memory_space<vmem>>, %arg9: memref<1024x256xf32, #tpu.memory_space<vmem>>, %arg10: memref<1x1024xf32, #tpu.memory_space<vmem>>) attributes {dimension_semantics = [#tpu.dimension_semantics<arbitrary>], iteration_bounds = array<i64: 10>, scalar_prefetch = 0 : i64, scratch_operands = 1 : i64, tpu.core_type = #tpu.core_type<tc>, window_params = [{transform_indices = @transform_0, window_bounds = array<i64: 5000, 256>}, {transform_indices = @transform_1, window_bounds = array<i64: 1, 1, 5000>}, {pipeline_mode = #tpu.pipeline_mode<synchronous>, transform_indices = @transform_2, window_bounds = array<i64: 1024, 256>}, {pipeline_mode = #tpu.pipeline_mode<synchronous>, transform_indices = @transform_3, window_bounds = array<i64: 256, 1>}, {pipeline_mode = #tpu.pipeline_mode<synchronous>, transform_indices = @transform_4, window_bounds = array<i64: 1, 1>}, {pipeline_mode = #tpu.pipeline_mode<synchronous>, transform_indices = @transform_5, window_bounds = array<i64: 256, 1>}, {transform_indices = @transform_6, window_bounds = array<i64: 1, 1, 5000>}, {pipeline_mode = #tpu.pipeline_mode<synchronous>, transform_indices = @transform_7, window_bounds = array<i64: 1024, 1>}, {pipeline_mode = #tpu.pipeline_mode<synchronous>, transform_indices = @transform_8, window_bounds = array<i64: 1024, 256>}]} {
    %eq3A = arith.constant 0 : i32
    %eq3A_0 = arith.cmpi eq, %arg0, %eq3A : i32
    %convert_element_type3A = arith.extui %eq3A_0 : i1 to i32
    %cond3A = arith.constant 0 : i32
    %cond3A_1 = arith.cmpi ne, %convert_element_type3A, %cond3A : i32
    scf.if %cond3A_1 {
      %get3A_55 = arith.constant 0 : index
      %get3A_56 = arith.constant 0 : index
      %get3A_57 = vector.load %arg3[%get3A_55, %get3A_56] : memref<1024x256xf32, #tpu.memory_space<vmem>>, vector<1024x256xf32>
      %ge3A_58 = arith.constant 0.000000e+00 : f32
      %ge3A_59 = vector.broadcast %ge3A_58 : f32 to vector<1024x256xf32>
      %ge3A_60 = arith.cmpf oge, %get3A_57, %ge3A_59 : vector<1024x256xf32>
      %mul3A_61 = arith.constant 0.00999999977 : f32
      %mul3A_62 = vector.broadcast %mul3A_61 : f32 to vector<1024x256xf32>
      %mul3A_63 = arith.mulf %mul3A_62, %get3A_57 : vector<1024x256xf32>
      %select_n3A_64 = arith.select %ge3A_60, %get3A_57, %mul3A_63 : vector<1024x256xi1>, vector<1024x256xf32>
      %get3A_65 = arith.constant 0 : index
      %get3A_66 = arith.constant 0 : index
      %get3A_67 = vector.load %arg4[%get3A_65, %get3A_66] : memref<256x1xf32, #tpu.memory_space<vmem>>, vector<256x1xf32>
      %dot_general3A_68 = arith.constant dense<0.000000e+00> : vector<1024x1xf32>
      %dot_general3A_69 = tpu.matmul %select_n3A_64, %get3A_67, %dot_general3A_68 {dimension_numbers = #tpu.dot_dimension_numbers<[1], [0], [0], [1], [0, 0, 1, 1], [], []>, transpose_lhs_hint = false} : vector<1024x256xf32>, vector<256x1xf32>, vector<1024x1xf32> -> vector<1024x1xf32>
      %get3A_70 = arith.constant 0 : index
      %get3A_71 = arith.constant 0 : index
      %get3A_72 = vector.load %arg5[%get3A_70, %get3A_71] : memref<1x1xf32, #tpu.memory_space<vmem>>, vector<1x1xf32>
      %get3A_73 = vector.extract %get3A_72[0, 0] : f32 from vector<1x1xf32>
      %add3A_74 = vector.broadcast %get3A_73 : f32 to vector<1024x1xf32>
      %add3A_75 = arith.addf %dot_general3A_69, %add3A_74 : vector<1024x1xf32>
      %transpose3A_76 = tpu.transpose %add3A_75, [1, 0] : vector<1024x1xf32> -> vector<1x1024xf32>
      %swap3A_77 = arith.constant 0 : index
      %swap3A_78 = arith.constant 0 : index
      %swap3A_79 = vector.load %arg10[%swap3A_77, %swap3A_78] : memref<1x1024xf32, #tpu.memory_space<vmem>>, vector<1x1024xf32>
      tpu.vector_store %arg10[%swap3A_77, %swap3A_78], %transpose3A_76 {strides = array<i32>} : memref<1x1024xf32, #tpu.memory_space<vmem>>, vector<1x1024xf32>,
      %broadcast_in_dim3A_80 = arith.constant 0.000000e+00 : f32
      %broadcast_in_dim3A_81 = vector.broadcast %broadcast_in_dim3A_80 : f32 to vector<1024x1xf32>
      %swap3A_82 = arith.constant 0 : index
      %swap3A_83 = arith.constant 0 : index
      %swap3A_84 = vector.load %arg8[%swap3A_82, %swap3A_83] : memref<1024x1xf32, #tpu.memory_space<vmem>>, vector<1024x1xf32>
      tpu.vector_store %arg8[%swap3A_82, %swap3A_83], %broadcast_in_dim3A_81 {strides = array<i32>} : memref<1024x1xf32, #tpu.memory_space<vmem>>, vector<1024x1xf32>,
      %broadcast_in_dim3A_85 = arith.constant 0.000000e+00 : f32
      %broadcast_in_dim3A_86 = vector.broadcast %broadcast_in_dim3A_85 : f32 to vector<1024x256xf32>
      %swap3A_87 = arith.constant 0 : index
      %swap3A_88 = arith.constant 0 : index
      %swap3A_89 = vector.load %arg9[%swap3A_87, %swap3A_88] : memref<1024x256xf32, #tpu.memory_space<vmem>>, vector<1024x256xf32>
      tpu.vector_store %arg9[%swap3A_87, %swap3A_88], %broadcast_in_dim3A_86 {strides = array<i32>} : memref<1024x256xf32, #tpu.memory_space<vmem>>, vector<1024x256xf32>,
    } else {
    }
    %get3A = arith.constant 0 : index
    %get3A_2 = arith.constant 0 : index
    %get3A_3 = arith.constant 0 : index
    %get3A_4 = vector.load %arg2[%get3A, %get3A_2, %get3A_3] : memref<1x1x5000xi32, #tpu.memory_space<vmem>>, vector<1x1x5000xi32>
    %get3A_5 = vector.shape_cast %get3A_4 : vector<1x1x5000xi32> to vector<1x5000xi32>
    %iota3A = tpu.iota {dimensions = array<i32: 0>} : vector<1024x5000xi32>
    %eq3A_6 = vector.broadcast %get3A_5 : vector<1x5000xi32> to vector<1024x5000xi32>
    %eq3A_7 = arith.cmpi eq, %iota3A, %eq3A_6 : vector<1024x5000xi32>
    %convert_element_type3A_8 = arith.extui %eq3A_7 : vector<1024x5000xi1> to vector<1024x5000xi32>
    %convert_element_type3A_9 = arith.sitofp %convert_element_type3A_8 : vector<1024x5000xi32> to vector<1024x5000xf32>
    %get3A_10 = arith.constant 0 : index
    %get3A_11 = arith.constant 0 : index
    %get3A_12 = vector.load %arg10[%get3A_10, %get3A_11] : memref<1x1024xf32, #tpu.memory_space<vmem>>, vector<1x1024xf32>
    %dot_general3A = arith.constant dense<0.000000e+00> : vector<1x5000xf32>
    %dot_general3A_13 = tpu.matmul %get3A_12, %convert_element_type3A_9, %dot_general3A {dimension_numbers = #tpu.dot_dimension_numbers<[1], [0], [0], [1], [0, 0, 1, 1], [], []>, transpose_lhs_hint = false} : vector<1x1024xf32>, vector<1024x5000xf32>, vector<1x5000xf32> -> vector<1x5000xf32>
    %get3A_14 = arith.constant 0 : index
    %get3A_15 = arith.constant 0 : index
    %get3A_16 = vector.load %arg1[%get3A_14, %get3A_15] : memref<5000x256xf32, #tpu.memory_space<vmem>>, vector<5000x256xf32>
    %get3A_17 = arith.constant 0 : index
    %get3A_18 = arith.constant 0 : index
    %get3A_19 = vector.load %arg6[%get3A_17, %get3A_18] : memref<256x1xf32, #tpu.memory_space<vmem>>, vector<256x1xf32>
    %dot_general3A_20 = arith.constant dense<0.000000e+00> : vector<5000x1xf32>
    %dot_general3A_21 = tpu.matmul %get3A_16, %get3A_19, %dot_general3A_20 {dimension_numbers = #tpu.dot_dimension_numbers<[1], [0], [0], [1], [0, 0, 1, 1], [], []>, transpose_lhs_hint = false} : vector<5000x256xf32>, vector<256x1xf32>, vector<5000x1xf32> -> vector<5000x1xf32>
    %transpose3A = tpu.transpose %dot_general3A_21, [1, 0] : vector<5000x1xf32> -> vector<1x5000xf32>
    %add3A = arith.addf %transpose3A, %dot_general3A_13 : vector<1x5000xf32>
    %ge3A = arith.constant 0.000000e+00 : f32
    %ge3A_22 = vector.broadcast %ge3A : f32 to vector<1x5000xf32>
    %ge3A_23 = arith.cmpf oge, %add3A, %ge3A_22 : vector<1x5000xf32>
    %mul3A = arith.constant 0.00999999977 : f32
    %mul3A_24 = vector.broadcast %mul3A : f32 to vector<1x5000xf32>
    %mul3A_25 = arith.mulf %mul3A_24, %add3A : vector<1x5000xf32>
    %select_n3A = arith.select %ge3A_23, %add3A, %mul3A_25 : vector<1x5000xi1>, vector<1x5000xf32>
    %exp3A = math.exp %select_n3A : vector<1x5000xf32>
    %swap3A = arith.constant 0 : index
    %swap3A_26 = arith.constant 0 : index
    %swap3A_27 = arith.constant 0 : index
    %swap3A_28 = vector.load %arg7[%swap3A, %swap3A_26, %swap3A_27] : memref<1x1x5000xf32, #tpu.memory_space<vmem>>, vector<1x1x5000xf32>
    %swap3A_29 = vector.shape_cast %swap3A_28 : vector<1x1x5000xf32> to vector<1x5000xf32>
    %swap3A_30 = vector.shape_cast %exp3A : vector<1x5000xf32> to vector<1x1x5000xf32>
    tpu.vector_store %arg7[%swap3A, %swap3A_26, %swap3A_27], %swap3A_30 {strides = array<i32>} : memref<1x1x5000xf32, #tpu.memory_space<vmem>>, vector<1x1x5000xf32>,
    %jit3A = arith.constant 0.000000e+00 : f32
    %broadcast_in_dim3A = vector.shape_cast %exp3A : vector<1x5000xf32> to vector<1x5000xf32>
    %broadcast_in_dim3A_31 = vector.broadcast %broadcast_in_dim3A : vector<1x5000xf32> to vector<1024x5000xf32>
    %broadcast_in_dim3A_32 = vector.broadcast %jit3A : f32 to vector<1024x5000xf32>
    %select_n3A_33 = arith.select %eq3A_7, %broadcast_in_dim3A_31, %broadcast_in_dim3A_32 : vector<1024x5000xi1>, vector<1024x5000xf32>
    %get3A_34 = arith.constant 0 : index
    %get3A_35 = arith.constant 0 : index
    %get3A_36 = vector.load %arg8[%get3A_34, %get3A_35] : memref<1024x1xf32, #tpu.memory_space<vmem>>, vector<1024x1xf32>
    %reduce_sum3A = arith.constant dense<0.000000e+00> : vector<1024xf32>
    %reduce_sum3A_37 = vector.multi_reduction <add>, %select_n3A_33, %reduce_sum3A [1] : vector<1024x5000xf32> to vector<1024xf32>
    %broadcast_in_dim3A_38 = vector.shape_cast %reduce_sum3A_37 : vector<1024xf32> to vector<1024x1xf32>
    %add3A_39 = arith.addf %get3A_36, %broadcast_in_dim3A_38 : vector<1024x1xf32>
    %swap3A_40 = arith.constant 0 : index
    %swap3A_41 = arith.constant 0 : index
    %swap3A_42 = vector.load %arg8[%swap3A_40, %swap3A_41] : memref<1024x1xf32, #tpu.memory_space<vmem>>, vector<1024x1xf32>
    tpu.vector_store %arg8[%swap3A_40, %swap3A_41], %add3A_39 {strides = array<i32>} : memref<1024x1xf32, #tpu.memory_space<vmem>>, vector<1024x1xf32>,
    %get3A_43 = arith.constant 0 : index
    %get3A_44 = arith.constant 0 : index
    %get3A_45 = vector.load %arg9[%get3A_43, %get3A_44] : memref<1024x256xf32, #tpu.memory_space<vmem>>, vector<1024x256xf32>
    %get3A_46 = arith.constant 0 : index
    %get3A_47 = arith.constant 0 : index
    %get3A_48 = vector.load %arg1[%get3A_46, %get3A_47] : memref<5000x256xf32, #tpu.memory_space<vmem>>, vector<5000x256xf32>
    %dot_general3A_49 = arith.constant dense<0.000000e+00> : vector<1024x256xf32>
    %dot_general3A_50 = tpu.matmul %select_n3A_33, %get3A_48, %dot_general3A_49 {dimension_numbers = #tpu.dot_dimension_numbers<[1], [0], [0], [1], [0, 0, 1, 1], [], []>, transpose_lhs_hint = false} : vector<1024x5000xf32>, vector<5000x256xf32>, vector<1024x256xf32> -> vector<1024x256xf32>
    %add3A_51 = arith.addf %get3A_45, %dot_general3A_50 : vector<1024x256xf32>
    %swap3A_52 = arith.constant 0 : index
    %swap3A_53 = arith.constant 0 : index
    %swap3A_54 = vector.load %arg9[%swap3A_52, %swap3A_53] : memref<1024x256xf32, #tpu.memory_space<vmem>>, vector<1024x256xf32>
    tpu.vector_store %arg9[%swap3A_52, %swap3A_53], %add3A_51 {strides = array<i32>} : memref<1024x256xf32, #tpu.memory_space<vmem>>, vector<1024x256xf32>,
    return
  }
  func.func @transform_0(%arg0: i32) -> (i32, i32) {
    %c0_i32 = arith.constant 0 : i32
    %c0_i32_0 = arith.constant 0 : i32
    return %arg0, %c0_i32 : i32, i32
  }
  func.func @transform_1(%arg0: i32) -> (i32, i32, i32) {
    %c0_i32 = arith.constant 0 : i32
    %c0_i32_0 = arith.constant 0 : i32
    %c0_i32_1 = arith.constant 0 : i32
    return %arg0, %c0_i32, %c0_i32_0 : i32, i32, i32
  }
  func.func @transform_2(%arg0: i32) -> (i32, i32) {
    %c0_i32 = arith.constant 0 : i32
    %c0_i32_0 = arith.constant 0 : i32
    %c0_i32_1 = arith.constant 0 : i32
    return %c0_i32, %c0_i32_0 : i32, i32
  }
  func.func @transform_3(%arg0: i32) -> (i32, i32) {
    %c0_i32 = arith.constant 0 : i32
    %c0_i32_0 = arith.constant 0 : i32
    %c0_i32_1 = arith.constant 0 : i32
    return %c0_i32, %c0_i32_0 : i32, i32
  }
  func.func @transform_4(%arg0: i32) -> (i32, i32) {
    %c0_i32 = arith.constant 0 : i32
    %c0_i32_0 = arith.constant 0 : i32
    %c0_i32_1 = arith.constant 0 : i32
    return %c0_i32, %c0_i32_0 : i32, i32
  }
  func.func @transform_5(%arg0: i32) -> (i32, i32) {
    %c0_i32 = arith.constant 0 : i32
    %c0_i32_0 = arith.constant 0 : i32
    %c0_i32_1 = arith.constant 0 : i32
    return %c0_i32, %c0_i32_0 : i32, i32
  }
  func.func @transform_6(%arg0: i32) -> (i32, i32, i32) {
    %c0_i32 = arith.constant 0 : i32
    %c0_i32_0 = arith.constant 0 : i32
    %c0_i32_1 = arith.constant 0 : i32
    return %arg0, %c0_i32, %c0_i32_0 : i32, i32, i32
  }
  func.func @transform_7(%arg0: i32) -> (i32, i32) {
    %c0_i32 = arith.constant 0 : i32
    %c0_i32_0 = arith.constant 0 : i32
    %c0_i32_1 = arith.constant 0 : i32
    return %c0_i32, %c0_i32_0 : i32, i32
  }
  func.func @transform_8(%arg0: i32) -> (i32, i32) {
    %c0_i32 = arith.constant 0 : i32
    %c0_i32_0 = arith.constant 0 : i32
    %c0_i32_1 = arith.constant 0 : i32
    return %c0_i32, %c0_i32_0 : i32, i32
  }
}

module attributes {stable_mosaic.version = 14 : i64} {
  func.func @_lambda_(%arg0: memref<1024x256xf32, #tpu.memory_space<vmem>>, %arg1: memref<1024x1xf32, #tpu.memory_space<vmem>>, %arg2: memref<1024x256xf32, #tpu.memory_space<vmem>>, %arg3: memref<256x256xf32, #tpu.memory_space<vmem>>, %arg4: memref<1x256xf32, #tpu.memory_space<vmem>>, %arg5: memref<768x256xf32, #tpu.memory_space<vmem>>, %arg6: memref<768x256xf32, #tpu.memory_space<vmem>>, %arg7: memref<1x768xf32, #tpu.memory_space<vmem>>, %arg8: memref<1x768xf32, #tpu.memory_space<vmem>>, %arg9: memref<1024x256xf32, #tpu.memory_space<vmem>>) attributes {dimension_semantics = [], scalar_prefetch = 0 : i64, scratch_operands = 0 : i64, tpu.core_type = #tpu.core_type<tc>} {
    %get3A = arith.constant 0 : index
    %get3A_0 = arith.constant 0 : index
    %get3A_1 = vector.load %arg2[%get3A, %get3A_0] : memref<1024x256xf32, #tpu.memory_space<vmem>>, vector<1024x256xf32>
    %ge3A = arith.constant 0.000000e+00 : f32
    %ge3A_2 = vector.broadcast %ge3A : f32 to vector<1024x256xf32>
    %ge3A_3 = arith.cmpf oge, %get3A_1, %ge3A_2 : vector<1024x256xf32>
    %mul3A = arith.constant 0.00999999977 : f32
    %mul3A_4 = vector.broadcast %mul3A : f32 to vector<1024x256xf32>
    %mul3A_5 = arith.mulf %mul3A_4, %get3A_1 : vector<1024x256xf32>
    %select_n3A = arith.select %ge3A_3, %get3A_1, %mul3A_5 : vector<1024x256xi1>, vector<1024x256xf32>
    %get3A_6 = arith.constant 0 : index
    %get3A_7 = arith.constant 0 : index
    %get3A_8 = vector.load %arg1[%get3A_6, %get3A_7] : memref<1024x1xf32, #tpu.memory_space<vmem>>, vector<1024x1xf32>
    %gt3A = arith.constant 0.000000e+00 : f32
    %gt3A_9 = vector.broadcast %gt3A : f32 to vector<1024x1xf32>
    %gt3A_10 = arith.cmpf ogt, %get3A_8, %gt3A_9 : vector<1024x1xf32>
    %convert_element_type3A = arith.extui %gt3A_10 : vector<1024x1xi1> to vector<1024x1xi32>
    %convert_element_type3A_11 = arith.sitofp %convert_element_type3A : vector<1024x1xi32> to vector<1024x1xf32>
    %gt3A_12 = arith.constant 0.000000e+00 : f32
    %gt3A_13 = vector.broadcast %gt3A_12 : f32 to vector<1024x1xf32>
    %gt3A_14 = arith.cmpf ogt, %get3A_8, %gt3A_13 : vector<1024x1xf32>
    %jit3A = arith.constant 1.000000e+00 : f32
    %broadcast_in_dim3A = vector.broadcast %jit3A : f32 to vector<1024x1xf32>
    %select_n3A_15 = arith.select %gt3A_14, %get3A_8, %broadcast_in_dim3A : vector<1024x1xi1>, vector<1024x1xf32>
    %div3A = arith.constant 1.000000e+00 : f32
    %div3A_16 = vector.broadcast %div3A : f32 to vector<1024x1xf32>
    %div3A_17 = arith.divf %div3A_16, %select_n3A_15 : vector<1024x1xf32>
    %get3A_18 = arith.constant 0 : index
    %get3A_19 = arith.constant 0 : index
    %get3A_20 = vector.load %arg0[%get3A_18, %get3A_19] : memref<1024x256xf32, #tpu.memory_space<vmem>>, vector<1024x256xf32>
    %mul3A_21 = vector.broadcast %div3A_17 : vector<1024x1xf32> to vector<1024x256xf32>
    %mul3A_22 = arith.mulf %get3A_20, %mul3A_21 : vector<1024x256xf32>
    %get3A_23 = arith.constant 0 : index
    %get3A_24 = arith.constant 0 : index
    %get3A_25 = vector.load %arg3[%get3A_23, %get3A_24] : memref<256x256xf32, #tpu.memory_space<vmem>>, vector<256x256xf32>
    %dot_general3A = arith.constant dense<0.000000e+00> : vector<1024x256xf32>
    %dot_general3A_26 = tpu.matmul %mul3A_22, %get3A_25, %dot_general3A {dimension_numbers = #tpu.dot_dimension_numbers<[1], [1], [0], [0], [0, 0, 1, 0], [], []>, transpose_lhs_hint = false} : vector<1024x256xf32>, vector<256x256xf32>, vector<1024x256xf32> -> vector<1024x256xf32>
    %get3A_27 = arith.constant 0 : index
    %get3A_28 = arith.constant 0 : index
    %get3A_29 = vector.load %arg4[%get3A_27, %get3A_28] : memref<1x256xf32, #tpu.memory_space<vmem>>, vector<1x256xf32>
    %mul3A_30 = vector.broadcast %get3A_29 : vector<1x256xf32> to vector<1024x256xf32>
    %mul3A_31 = vector.broadcast %convert_element_type3A_11 : vector<1024x1xf32> to vector<1024x256xf32>
    %mul3A_32 = arith.mulf %mul3A_30, %mul3A_31 : vector<1024x256xf32>
    %add3A = arith.addf %dot_general3A_26, %mul3A_32 : vector<1024x256xf32>
    %gt3A_33 = arith.constant 0.000000e+00 : f32
    %gt3A_34 = vector.broadcast %gt3A_33 : f32 to vector<1024x256xf32>
    %gt3A_35 = arith.cmpf ogt, %add3A, %gt3A_34 : vector<1024x256xf32>
    %min3A = arith.constant 0.000000e+00 : f32
    %min3A_36 = vector.broadcast %min3A : f32 to vector<1024x256xf32>
    %min3A_37 = arith.minimumf %add3A, %min3A_36 : vector<1024x256xf32>
    %exp3A = math.exp %min3A_37 : vector<1024x256xf32>
    %sub3A = arith.constant 1.000000e+00 : f32
    %sub3A_38 = vector.broadcast %sub3A : f32 to vector<1024x256xf32>
    %sub3A_39 = arith.subf %exp3A, %sub3A_38 : vector<1024x256xf32>
    %select_n3A_40 = arith.select %gt3A_35, %add3A, %sub3A_39 : vector<1024x256xi1>, vector<1024x256xf32>
    %get3A_41 = arith.constant 0 : index
    %get3A_42 = arith.constant 0 : index
    %get3A_43 = vector.load %arg5[%get3A_41, %get3A_42] : memref<768x256xf32, #tpu.memory_space<vmem>>, vector<768x256xf32>
    %dot_general3A_44 = arith.constant dense<0.000000e+00> : vector<1024x768xf32>
    %dot_general3A_45 = tpu.matmul %select_n3A_40, %get3A_43, %dot_general3A_44 {dimension_numbers = #tpu.dot_dimension_numbers<[1], [1], [0], [0], [0, 0, 1, 0], [], []>, transpose_lhs_hint = false} : vector<1024x256xf32>, vector<768x256xf32>, vector<1024x768xf32> -> vector<1024x768xf32>
    %get3A_46 = arith.constant 0 : index
    %get3A_47 = arith.constant 0 : index
    %get3A_48 = vector.load %arg7[%get3A_46, %get3A_47] : memref<1x768xf32, #tpu.memory_space<vmem>>, vector<1x768xf32>
    %add3A_49 = vector.broadcast %get3A_48 : vector<1x768xf32> to vector<1024x768xf32>
    %add3A_50 = arith.addf %dot_general3A_45, %add3A_49 : vector<1024x768xf32>
    %get3A_51 = arith.constant 0 : index
    %get3A_52 = arith.constant 0 : index
    %get3A_53 = vector.load %arg6[%get3A_51, %get3A_52] : memref<768x256xf32, #tpu.memory_space<vmem>>, vector<768x256xf32>
    %dot_general3A_54 = arith.constant dense<0.000000e+00> : vector<1024x768xf32>
    %dot_general3A_55 = tpu.matmul %select_n3A, %get3A_53, %dot_general3A_54 {dimension_numbers = #tpu.dot_dimension_numbers<[1], [1], [0], [0], [0, 0, 1, 0], [], []>, transpose_lhs_hint = false} : vector<1024x256xf32>, vector<768x256xf32>, vector<1024x768xf32> -> vector<1024x768xf32>
    %get3A_56 = arith.constant 0 : index
    %get3A_57 = arith.constant 0 : index
    %get3A_58 = vector.load %arg8[%get3A_56, %get3A_57] : memref<1x768xf32, #tpu.memory_space<vmem>>, vector<1x768xf32>
    %add3A_59 = vector.broadcast %get3A_58 : vector<1x768xf32> to vector<1024x768xf32>
    %add3A_60 = arith.addf %dot_general3A_55, %add3A_59 : vector<1024x768xf32>
    %slice3A = vector.extract_strided_slice %add3A_50 {offsets = [0, 0], sizes = [1024, 256], strides = [1, 1]} : vector<1024x768xf32> to vector<1024x256xf32>
    %slice3A_61 = vector.extract_strided_slice %add3A_50 {offsets = [0, 256], sizes = [1024, 256], strides = [1, 1]} : vector<1024x768xf32> to vector<1024x256xf32>
    %slice3A_62 = vector.extract_strided_slice %add3A_50 {offsets = [0, 512], sizes = [1024, 256], strides = [1, 1]} : vector<1024x768xf32> to vector<1024x256xf32>
    %slice3A_63 = vector.extract_strided_slice %add3A_60 {offsets = [0, 0], sizes = [1024, 256], strides = [1, 1]} : vector<1024x768xf32> to vector<1024x256xf32>
    %slice3A_64 = vector.extract_strided_slice %add3A_60 {offsets = [0, 256], sizes = [1024, 256], strides = [1, 1]} : vector<1024x768xf32> to vector<1024x256xf32>
    %slice3A_65 = vector.extract_strided_slice %add3A_60 {offsets = [0, 512], sizes = [1024, 256], strides = [1, 1]} : vector<1024x768xf32> to vector<1024x256xf32>
    %add3A_66 = arith.addf %slice3A, %slice3A_63 : vector<1024x256xf32>
    %logistic3A = arith.negf %add3A_66 : vector<1024x256xf32>
    %logistic3A_67 = math.exp %logistic3A : vector<1024x256xf32>
    %logistic3A_68 = arith.constant 1.000000e+00 : f32
    %logistic3A_69 = vector.broadcast %logistic3A_68 : f32 to vector<1024x256xf32>
    %logistic3A_70 = arith.addf %logistic3A_69, %logistic3A_67 : vector<1024x256xf32>
    %logistic3A_71 = arith.divf %logistic3A_69, %logistic3A_70 : vector<1024x256xf32>
    %add3A_72 = arith.addf %slice3A_61, %slice3A_64 : vector<1024x256xf32>
    %logistic3A_73 = arith.negf %add3A_72 : vector<1024x256xf32>
    %logistic3A_74 = math.exp %logistic3A_73 : vector<1024x256xf32>
    %logistic3A_75 = arith.constant 1.000000e+00 : f32
    %logistic3A_76 = vector.broadcast %logistic3A_75 : f32 to vector<1024x256xf32>
    %logistic3A_77 = arith.addf %logistic3A_76, %logistic3A_74 : vector<1024x256xf32>
    %logistic3A_78 = arith.divf %logistic3A_76, %logistic3A_77 : vector<1024x256xf32>
    %mul3A_79 = arith.mulf %logistic3A_71, %slice3A_65 : vector<1024x256xf32>
    %add3A_80 = arith.addf %slice3A_62, %mul3A_79 : vector<1024x256xf32>
    %tanh3A = math.tanh %add3A_80 : vector<1024x256xf32>
    %sub3A_81 = arith.constant 1.000000e+00 : f32
    %sub3A_82 = vector.broadcast %sub3A_81 : f32 to vector<1024x256xf32>
    %sub3A_83 = arith.subf %sub3A_82, %logistic3A_78 : vector<1024x256xf32>
    %mul3A_84 = arith.mulf %sub3A_83, %tanh3A : vector<1024x256xf32>
    %mul3A_85 = arith.mulf %logistic3A_78, %select_n3A : vector<1024x256xf32>
    %add3A_86 = arith.addf %mul3A_84, %mul3A_85 : vector<1024x256xf32>
    %max3A = arith.constant 0.000000e+00 : f32
    %max3A_87 = vector.broadcast %max3A : f32 to vector<1024x256xf32>
    %max3A_88 = arith.maximumf %add3A_86, %max3A_87 : vector<1024x256xf32>
    %swap3A = arith.constant 0 : index
    %swap3A_89 = arith.constant 0 : index
    %swap3A_90 = vector.load %arg9[%swap3A, %swap3A_89] : memref<1024x256xf32, #tpu.memory_space<vmem>>, vector<1024x256xf32>
    tpu.vector_store %arg9[%swap3A, %swap3A_89], %max3A_88 {strides = array<i32>} : memref<1024x256xf32, #tpu.memory_space<vmem>>, vector<1024x256xf32>,
    return
  }
}

</mosaic_0001>

<sc_bundles>
// kernel: kernel.5.cloned.1.call-start
scs
__scs_entry_jumppad:
0x0: {  	(pc) =	sbr.rel $0x88, $3  }
0x1: {  	(tag) =	ssettag $0x0;
	lr =	simm.s32 $0x1  }
0x2: {  	[smem:$0x3F96] =	sst lr;
	_ =	strace $0xD0000000  }
0x3: {  	_ = 	snop  }
0x4: {  	_ = 	snop  }
0x5: {  	_ = 	snop  }
0x6: {  	_ = 	snop  }
0x7: {  	_ = 	snop  }
__scs_overlays_trampoline_lowered:
0x8: {  	[smem:$0x3FA5] =	sst s0  }
0x9: {  	[smem:$0x3FA6] =	sst s1  }
0xa: {  	[smem:$0x3FA7] =	sst s2  }
0xb: {  	[smem:$0x3FA8] =	sst s3  }
0xc: {  	[smem:$0x3FA9] =	sst s4  }
0xd: {  	[smem:$0x3FAA] =	sst s5  }
0xe: {  	[smem:$0x3FAB] =	sst s6  }
0xf: {  	[smem:$0x3FAC] =	sst s7  }
0x10: {  	[smem:$0x3FAD] =	sst s8  }
0x11: {  	[smem:$0x3FAE] =	sst s9;
	s0 =	simm.s32 @!p0 $0x0  }
0x12: {  	s1 =	sld [smem:$0x3F94];
	s0 =	simm.s32 @p0 $0x1  }
0x13: {  	[smem:$0x3FAF] =	sst s0;
	s0 =	simm.s32 @!p1 $0x0  }
0x14: {  	s2 =	sld [smem:$0x3F93];
	s0 =	simm.s32 @p1 $0x1  }
0x15: {  	[smem:$0x3FB0] =	sst s0;
	s0 =	simm.s32 @!p2 $0x0  }
0x16: {  	s3 =	sld [smem:$0x3FDB];
	s0 =	simm.s32 @p2 $0x1  }
0x17: {  	s4 =	simm.s32 $0x1BF5;
	[smem:$0x3FB2] =	sst s0  }
0x18: {  	s0 =	sld [smem:$0x3F95];
	_ =	swait.ge [sflag:s4], $0x0  }
0x19: {  	s7 =	sld [smem:$0x3F96]  }
0x1a: {  	s8 =	sadd.s32 $0xFFFFE003, lr  }
0x1b: {  	s9 =	sadd.s32 $0xFFFFFEF7, lr;
	s5 =	simm.s32 $0xFFFFFFFF;
	p2 =	slt.u32 s8, $0xFFFFF086  }
0x1c: {  	p1 =	slt.u32 s9, $0xF7A;
	s5 =	simm.s32 @!p2 $0x0  }
0x1d: {  	s5 =	simm.s32 @p1 $0x1;
	p0 =	seq.s32 s7, s2  }
0x1e: {  	s7 =	smul.u32 @!p0 $0xF7A, s2;
	p2 =	seq.s32 @!p0 s5, $0x0  }
0x1f: {  	s9 =	smul.u32 $0xF7A, s1;
	s8 =	simm.s32 @!p0 $0x1BF5;
	p2 =	por !p2, p0  }
0x20: {  	[sflag:s8] =	ssyncset.s32 @!p0 $0xFFFFF086;
	s6 =	sadd.s32 @!p0 s3, s7;
	s7 =	simm.s32 @!p0 $0x108  }
0x21: {  	s3 =	sadd.s32 s3, s9;
	s6 =	sadd.s32 @!p0 $0x88, s6;
	s7 =	simm.s32 @p2 $0x1082  }
0x22: {  	[simem:s7], [sflag:s8] =	dma.local @!p0 [hbm:s6], $0xF7A  }
0x23: {  	s9 =	sor.u32 $0xD0000000, s2;
	s6 =	simm.s32 $0x108;
	_ =	swait.ge @!p0 [sflag:s8], $0x0  }
0x24: {  	s3 =	sadd.s32 $0x88, s3;
	s6 =	simm.s32 @!p1 $0x1082;
	[sflag:s4] =	ssyncset.s32 $0xFFFFF086  }
0x25: {  	[simem:s6], [sflag:s4] =	dma.local [hbm:s3], $0xF7A  }
0x26: {  	[smem:$0x3F96] =	sst s1;
	(tag) =	ssettag s2;
	_ =	strace s9  }
0x27: {  	s1 =	sld [smem:$0x3FA6]  }
0x28: {  	s2 =	sld [smem:$0x3FA7]  }
0x29: {  	s4 =	sld [smem:$0x3FA9]  }
0x2a: {  	p0 =	seq.s32 s5, $0x0;
	s5 =	sld [smem:$0x3FAA]  }
0x2b: {  	s6 =	sld [smem:$0x3FAB]  }
0x2c: {  	s7 =	sld [smem:$0x3FAC]  }
0x2d: {  	s3 =	simm.s32 $0x108;
	s8 =	sld [smem:$0x3FAD]  }
0x2e: {  	s3 =	simm.s32 @!p0 $0x1082;
	s9 =	sld [smem:$0x3FAE]  }
0x2f: {  	lr =	sadd.s32 s0, s3;
	s0 =	sld [smem:$0x3FA5]  }
0x30: {  	s3 =	sld [smem:$0x3FA8]  }
0x31: {  	[smem:$0x3FB1] =	sst s10  }
0x32: {  	s10 =	sld [smem:$0x3FAF];
	_ =	sdelay $0x3  }
0x33: {  	p0 =	seq.s32 s10, $0x1;
	s10 =	sld [smem:$0x3FB1];
	_ =	sdelay $0x3  }
0x34: {  	[smem:$0x3FB1] =	sst s10  }
0x35: {  	s10 =	sld [smem:$0x3FB0];
	_ =	sdelay $0x3  }
0x36: {  	p1 =	seq.s32 s10, $0x1;
	s10 =	sld [smem:$0x3FB1];
	_ =	sdelay $0x3  }
0x37: {  	[smem:$0x3FB1] =	sst s10  }
0x38: {  	s10 =	sld [smem:$0x3FB2]  }
0x39: {  	_ = 	snop;
	(pc) =	sbr.ind lr, $3  }
0x3a: {  	_ = 	snop  }
0x3b: {  	_ = 	snop  }
0x3c: {  	p2 =	seq.s32 s10, $0x1;
	s10 =	sld [smem:$0x3FB1]  }
0x3d: {  	_ =	shalt  }
0x3e: {  	_ =	shalt  }
0x3f: {  	_ =	shalt  }
0x40: {  	_ =	shalt  }
0x41: {  	_ =	shalt  }
0x42: {  	_ =	shalt  }
0x43: {  	_ =	shalt  }
0x44: {  	_ =	shalt  }
0x45: {  	_ =	shalt  }
0x46: {  	_ =	shalt  }
0x47: {  	_ =	shalt  }
0x48: {  	_ =	shalt  }
0x49: {  	_ =	shalt  }
0x4a: {  	_ =	shalt  }
0x4b: {  	_ =	shalt  }
0x4c: {  	_ =	shalt  }
0x4d: {  	_ =	shalt  }
0x4e: {  	_ =	shalt  }
0x4f: {  	_ =	shalt  }
0x50: {  	_ =	shalt  }
0x51: {  	_ =	shalt  }
0x52: {  	_ =	shalt  }
0x53: {  	_ =	shalt  }
0x54: {  	_ =	shalt  }
0x55: {  	_ =	shalt  }
0x56: {  	_ =	shalt  }
0x57: {  	_ =	shalt  }
0x58: {  	_ =	shalt  }
0x59: {  	_ =	shalt  }
0x5a: {  	_ =	shalt  }
0x5b: {  	_ =	shalt  }
0x5c: {  	_ =	shalt  }
0x5d: {  	_ =	shalt  }
0x5e: {  	_ =	shalt  }
0x5f: {  	_ =	shalt  }
0x60: {  	_ =	shalt  }
0x61: {  	_ =	shalt  }
0x62: {  	_ =	shalt  }
0x63: {  	_ =	shalt  }
0x64: {  	_ =	shalt  }
0x65: {  	_ =	shalt  }
0x66: {  	_ =	shalt  }
0x67: {  	_ =	shalt  }
0x68: {  	_ =	shalt  }
0x69: {  	_ =	shalt  }
0x6a: {  	_ =	shalt  }
0x6b: {  	_ =	shalt  }
0x6c: {  	_ =	shalt  }
0x6d: {  	_ =	shalt  }
0x6e: {  	_ =	shalt  }
0x6f: {  	_ =	shalt  }
0x70: {  	_ =	shalt  }
0x71: {  	_ =	shalt  }
0x72: {  	_ =	shalt  }
0x73: {  	_ =	shalt  }
0x74: {  	_ =	shalt  }
0x75: {  	_ =	shalt  }
0x76: {  	_ =	shalt  }
0x77: {  	_ =	shalt  }
0x78: {  	_ =	shalt  }
0x79: {  	_ =	shalt  }
0x7a: {  	_ =	shalt  }
0x7b: {  	_ =	shalt  }
0x7c: {  	_ =	shalt  }
0x7d: {  	_ =	shalt  }
0x7e: {  	_ =	shalt  }
0x7f: {  	_ =	shalt  }
0x80: {  	_ =	shalt  }
0x81: {  	_ =	shalt  }
0x82: {  	_ =	shalt  }
0x83: {  	_ =	shalt  }
0x84: {  	_ =	shalt  }
0x85: {  	_ =	shalt  }
0x86: {  	_ =	shalt  }
0x87: {  	_ =	shalt  }
.Lfunc_end0:
.L_simem_size_0:
called_computation_lowered:
.L_overlay_start_0:
0x88: {  	s2 =	sld [smem:$0x3FD9]  }
0x89: {  	s3 =	sld [smem:$0x3FFE];
	_ =	sdelay $0x1  }
0x8a: {  	s1 =	srdreg.scid  }
0x8b: {  	s0 =	sand.u32 $0x1, s1  }
0x8c: {  	s14 =	sshll.u32 s0, $0xA;
	s2 =	sadd.s32 s3, s2  }
0x8d: {  	s2 =	sadd.s32 s2, s14  }
0x8e: {  	[smem:$0x3FBD] =	sst s2  }
0x8f: {  	_ = 	snop  }
0x90: {  	s2 =	sld [smem:$0x3FD0];
	_ =	sdelay $0x2  }
0x91: {  	s4 =	simm.s32 $0xA;
	s5 =	simm.s32 $0x10;
	s15 =	sld [smem:$0x3FC7]  }
0x92: {  	[smem:s5], [sflag:s4] =	dma.local [hbm:s2], $0x1  }
0x93: {  	_ =	swait.eq [sflag:s4], $0x1  }
0x94: {  	[sflag:s4] =	ssyncset.done $0x0  }
0x95: {  	[sflag:s4] =	ssyncadd.s32 $0xFFFFFFFF  }
0x96: {  	s16 =	sld [smem:$0x11];
	(tm) =	ssettm $0x1  }
0x97: {  	s17 =	sld [smem:$0x3FFB];
	_ =	sdelay $0x3  }
0x98: {  	_ =	strace s17  }
0x99: {  	s4 =	sld [smem:$0x3FFC];
	_ =	sdelay $0x3  }
0x9a: {  	_ =	strace s4  }
0x9b: {  	s4 =	sld [smem:$0x3FFD];
	_ =	sdelay $0x3  }
0x9c: {  	_ =	strace s4  }
0x9d: {  	_ =	strace $0x8FFFFFFF  }
0x9e: {  	s18 =	sld [smem:$0x3FDB];
	_ =	sdelay $0x1  }
0x9f: {  	s19 =	simm.s32 $_scs_section_size  }
0xa0: {  	s6 =	simm.s32 $_size__tile_overlayer_lowered;
	s7 =	simm.s32 $_tile_overlayer_lowered  }
0xa1: {  	s22 =	simm.s32 $0x1BFF;
	s21 =	sshll.u32 s7, $0x1;
	s4 =	sadd.s32 s19, s18  }
0xa2: {  	s8 =	simm.s32 $0x0;
	s20 =	sshll.u32 s6, $0x1;
	s6 =	sadd.s32 s21, s4  }
0xa3: {  	[timem:s8], [sflag:s22] =	dma.local [hbm:s6], s20  }
0xa4: {  	_ =	swait.ge [sflag:s22], s20  }
0xa5: {  	s5 =	ssub.s32 $0x0, s20;
	[sflag:s22] =	ssyncset.done $0x0  }
0xa6: {  	[sflag:s22] =	ssyncadd.s32 s5;
	_ =	sdelay $0x1  }
0xa7: {  	s23 =	simm.s32 $0x1B8B  }
0xa8: {  	_ =	swait.ge [sflag:s23], $0x1  }
0xa9: {  	[sflag:s23] =	ssyncset.done $0x0  }
0xaa: {  	s25 =	simm.s32 $0x1B8E;
	s24 =	sld [smem:$0x3FFE];
	[sflag:s23] =	ssyncadd.s32 $0xFFFFFFFF  }
0xab: {  	s26 =	simm.s32 $execute0_lowered;
	[smem:$0x3FD2] =	sst s25  }
0xac: {  	s6 =	sshll.u32 s26, $0x1;
	_ =	strace $0x80000046;
	[dreg:$0x1] =	wrdreg $0xFFFFFFFF  }
0xad: {  	s28 =	simm.s32 $_size_execute0_lowered;
	s4 =	sadd.s32 s4, s6;
	[dreg:$0x0] =	wrdreg $0x0  }
0xae: {  	s6 =	sshll.u32 s28, $0x1;
	[dreg:$0x2] =	wrdreg s4  }
0xaf: {  	[dreg:$0x3] =	wrdreg s6  }
0xb0: {  	[dreg:$0x4] =	wrdreg $0xC0  }
0xb1: {  	_ =	task [dreg:s8], $0x5FFFF  }
0xb2: {  	[dreg:$0x1] =	wrdreg $0xFFFFFFFF  }
0xb3: {  	[dreg:$0x0] =	wrdreg $0x60  }
0xb4: {  	[dreg:$0x2] =	wrdreg s24  }
0xb5: {  	[dreg:$0x3] =	wrdreg s15  }
0xb6: {  	[dreg:$0x4] =	wrdreg s16  }
0xb7: {  	[dreg:$0x5] =	wrdreg $0x9  }
0xb8: {  	_ =	task.clear_ibuf [dreg:s8], $0x6FFFF;
	_ =	strace $0x90000046  }
0xb9: {  	s29 =	simm.s32 $0x9;
	_ =	strace $0x80000048  }
0xba: {  	_ =	swait.ge [sflag:s29], $0x1  }
0xbb: {  	[sflag:s29] =	ssyncadd.s32 $0xFFFFFFFF  }
0xbc: {  	_ =	strace $0x90000048  }
0xbd: {  	_ =	sfence  }
0xbe: {  	s30 =	sld [smem:$0x0];
	_ =	sdelay $0x2  }
0xbf: {  	s31 =	sshll.u32 s1, $0xD;
	s1 =	sshrl.u32 s1, $0x2  }
0xc0: {  	s3 =	sand.u32 $0x4000, s31;
	s1 =	sadd.s32 s1, s30  }
0xc1: {  	s0 =	sor.u32 s3, s0;
	s1 =	sshll.u32 s1, $0x11  }
0xc2: {  	s0 =	sor.u32 s1, s0  }
0xc3: {  	s0 =	sadd.s32 $0x8F2B, s0  }
0xc4: {  	[sflag:s0] =	ssyncadd.remote.s32 $0x1  }
0xc5: {  	_ =	sfence.sel $0xFFFF  }
0xc6: {  	[dreg:$0x0] =	wrdreg $0xFFFFFFFF;
	(pc) =	sbr.abs _section_cstart, $3  }
0xc7: {  	[dreg:$0x1] =	wrdreg $0xFFFFFFFF  }
0xc8: {  	_ =	task.clear_ibuf [dreg:s8], $0x2FFFF;
	_ =	strace $0x9FFFFFFF  }
0xc9: {  	(tm) =	ssettm $0x7FFFFFFF  }
tec
execute0_lowered:
.L_overlay_start_1:
0x0: {  	(tag) =	ssettag $0x1  }
0x1: {  	s1 =	srdreg.scid  }
0x2: {  	s0 =	stileid.u32;
	s4 =	rddreg [dreg:$0x0]  }
0x3: {  	s6 =	rddreg [dreg:$0x1];
	s5 =	sand.u32 $0x1, s1;
	s31 =	sshll.u32 s0, $0x1  }
0x4: {  	s2 =	rddreg [dreg:$0x2];
	s1 =	sor.u32 s5, s31  }
0x5: {  	s3 =	simm.s32 $0x0;
	s10 =	simm.s32 $0xD00;
	s7 =	smul.u32 $0x620, s1  }
0x6: {  	s11 =	simm.s32 $0x1100;
	s12 =	simm.s32 $0x1500;
	s13 =	simm.s32 $0x0  }
0x7: {  	[smem:$0x7FF] =	sst s3;
	s5 =	ssub.s32 $0x2, s5;
	s7 =	smin.u32 s7, $0xBD30  }
0x8: {  	s1 =	rddreg [dreg:$0x3];
	s8 =	sshrl.u32 s5, $0x1;
	s7 =	sshrl.u32 s7, $0x3  }
0x9: {  	_ =	strace $0x80000047;
	s8 =	ssub.s32 s5, s8;
	s9 =	sadd.s32 s7, s4  }
0xa: {  	s4 =	sadd.s32 s6, s7;
	s7 =	smax.u32 s8, $0x1;
	s8 =	simm.s32 $0x680  }
0xb: {  	s5 =	sadd.s32 $0xE00, s9;
	s6 =	sadd.s32 $0x2800, s9;
	s9 =	simm.s32 $0x1  }
.LBB2_1:
0xc: {  	[tilespmem:s8], [sflag:$0x1] =	stream.linear.gather [hbm4b:s4+s3], $0x620, $0x38;
	[tilespmem:$0x1B80] =	vst v63  }
0xd: {  	_ =	swait.ge [sflag:s9], $0x620  }
0xe: {  	[sflag:s9] =	ssyncset.done $0x0  }
0xf: {  	[sflag:s9] =	ssyncadd.s32 $0xFFFFF9E0  }
0x10: {  	[tilespmem:s3], [sflag:$0x1] =	stream.linear.gather [hbm4b:s5+s3], $0x620, $0x38;
	[tilespmem:$0x1B80] =	vst v63  }
0x11: {  	_ =	swait.ge [sflag:s9], $0x620  }
0x12: {  	[sflag:s9] =	ssyncset.done $0x0  }
0x13: {  	[sflag:s9] =	ssyncadd.s32 $0xFFFFF9E0  }
0x14: {  	[tilespmem:s10], [sflag:$0x1] =	stream.linear.gather [hbm4b:s2+s3], $0x400, $0x38;
	[tilespmem:$0x1B80] =	vst v63  }
0x15: {  	_ =	swait.ge [sflag:s9], $0x400  }
0x16: {  	[sflag:s9] =	ssyncset.done $0x0  }
0x17: {  	s14 =	simm.s32 $0xD20;
	[sflag:s9] =	ssyncadd.s32 $0xFFFFFC00  }
0x18: {  	v0 =	vld [tilespmem:s14+$0xFFFFFFE0];
	_ =	sdelay $0x4  }
0x19: {  	(erf) = vrcp.f32 v0;
	_ =	sdelay $0x8  }
0x1a: {  	vm0 =	vgt.f32 v0, $0.0e+00;
	v60 =	vpop (erf)  }
0x1b: {  	s18 =	simm.s32 $0x1120;
	v0 =	vnsel vm0, $0x0, v60  }
0x1c: {  	[tilespmem:s18+$0xFFFFFFE0] =	vst v0  }
0x1d: {  	v0 =	vld [tilespmem:s14+$0xFFFFFFF0];
	_ =	sdelay $0x4  }
0x1e: {  	(erf) = vrcp.f32 v0;
	_ =	sdelay $0x8  }
0x1f: {  	vm13 =	vgt.f32 v0, $0.0e+00;
	v61 =	vpop (erf)  }
0x20: {  	v0 =	vnsel vm13, $0x0, v61  }
0x21: {  	[tilespmem:s18+$0xFFFFFFF0] =	vst v0  }
0x22: {  	v0 =	vld [tilespmem:s14+$0x0];
	_ =	sdelay $0x4  }
0x23: {  	(erf) = vrcp.f32 v0;
	_ =	sdelay $0x8  }
0x24: {  	vm14 =	vgt.f32 v0, $0.0e+00;
	v62 =	vpop (erf)  }
0x25: {  	v0 =	vnsel vm14, $0x0, v62  }
0x26: {  	[tilespmem:s18+$0x0] =	vst v0  }
0x27: {  	v0 =	vld [tilespmem:s14+$0x10];
	_ =	sdelay $0x4  }
0x28: {  	(erf) = vrcp.f32 v0;
	_ =	sdelay $0x8  }
0x29: {  	vm15 =	vgt.f32 v0, $0.0e+00;
	v63 =	vpop (erf)  }
0x2a: {  	s19 =	simm.s32 $0x0;
	s15 =	simm.s32 $0x6A0;
	s20 =	simm.s32 $0xD60;
	v0 =	vnsel vm15, $0x0, v63  }
0x2b: {  	s16 =	simm.s32 $0x1520;
	s17 =	simm.s32 $0x20;
	s14 =	simm.s32 $0xFFFFFFFC;
	[tilespmem:s18+$0x10] =	vst v0  }
.LBB2_2:
0x2c: {  	v0 =	vld [tilespmem:s20+$0xFFFFFFE0];
	s19 =	sadd.s32 $0x4, s19  }
0x2d: {  	p0 =	slt.u32 s19, $0x3C;
	_ =	sdelay $0x3  }
0x2e: {  	(erf) = vrcp.f32 v0;
	_ =	sdelay $0x8  }
0x2f: {  	vm0 =	vgt.f32 v0, $0.0e+00;
	v0 =	vpop (erf)  }
0x30: {  	s18 =	sadd.s32 $0x40, s18;
	v0 =	vnsel vm0, $0x0, v0  }
0x31: {  	[tilespmem:s18+$0xFFFFFFE0] =	vst v0  }
0x32: {  	v0 =	vld [tilespmem:s20+$0xFFFFFFF0];
	_ =	sdelay $0x4  }
0x33: {  	(erf) = vrcp.f32 v0;
	_ =	sdelay $0x8  }
0x34: {  	vm0 =	vgt.f32 v0, $0.0e+00;
	v0 =	vpop (erf)  }
0x35: {  	v0 =	vnsel vm0, $0x0, v0  }
0x36: {  	[tilespmem:s18+$0xFFFFFFF0] =	vst v0  }
0x37: {  	v0 =	vld [tilespmem:s20+$0x0];
	_ =	sdelay $0x4  }
0x38: {  	(erf) = vrcp.f32 v0;
	_ =	sdelay $0x8  }
0x39: {  	vm0 =	vgt.f32 v0, $0.0e+00;
	v0 =	vpop (erf)  }
0x3a: {  	v0 =	vnsel vm0, $0x0, v0  }
0x3b: {  	[tilespmem:s18+$0x0] =	vst v0  }
0x3c: {  	v0 =	vld [tilespmem:s20+$0x10];
	_ =	sdelay $0x4  }
0x3d: {  	(erf) = vrcp.f32 v0;
	_ =	sdelay $0x6  }
.Ltmp0:
0x3e: {  	(pc) =	sbr.rel @p0 .LBB2_2-.Ltmp0, $4  }
0x3f: {  	_ = 	snop  }
0x40: {  	vm0 =	vgt.f32 v0, $0.0e+00;
	v0 =	vpop (erf)  }
0x41: {  	v0 =	vnsel vm0, $0x0, v0  }
0x42: {  	s20 =	sadd.s32 $0x40, s20;
	[tilespmem:s18+$0x10] =	vst v0  }
.LBB2_3:
0x43: {  	v0 =	vld [tilespmem:s15+$0xFFFFFFE0];
	_ =	sdelay $0x6  }
0x44: {  	v1 =	vld [tilespmem:s17+$0xFFFFFFE0]  }
0x45: {  	v0 =	vld.idx.msk [tilespmem:v0+s11+$0x0], $0xffff;
	_ =	sdelay $0x4  }
0x46: {  	v0 =	vmul.f32 v1, v0;
	_ =	sdelay $0x1  }
0x47: {  	[tilespmem:s16+$0xFFFFFFE0] =	vst v0  }
0x48: {  	v0 =	vld [tilespmem:s15+$0xFFFFFFF0];
	_ =	sdelay $0x6  }
0x49: {  	v61 =	vld [tilespmem:s17+$0xFFFFFFF0]  }
0x4a: {  	v0 =	vld.idx.msk [tilespmem:v0+s11+$0x0], $0xffff;
	_ =	sdelay $0x4  }
0x4b: {  	v0 =	vmul.f32 v61, v0;
	_ =	sdelay $0x1  }
0x4c: {  	[tilespmem:s16+$0xFFFFFFF0] =	vst v0  }
0x4d: {  	v0 =	vld [tilespmem:s15+$0x0];
	_ =	sdelay $0x6  }
0x4e: {  	v62 =	vld [tilespmem:s17+$0x0]  }
0x4f: {  	v0 =	vld.idx.msk [tilespmem:v0+s11+$0x0], $0xffff;
	_ =	sdelay $0x4  }
0x50: {  	v0 =	vmul.f32 v62, v0;
	_ =	sdelay $0x1  }
0x51: {  	[tilespmem:s16+$0x0] =	vst v0  }
0x52: {  	v0 =	vld [tilespmem:s15+$0x10];
	_ =	sdelay $0x6  }
0x53: {  	v63 =	vld [tilespmem:s17+$0x10]  }
0x54: {  	v0 =	vld.idx.msk [tilespmem:v0+s11+$0x0], $0xffff  }
0x55: {  	s14 =	sadd.s32 $0x4, s14  }
0x56: {  	p0 =	slt.u32 s14, $0x5C  }
.Ltmp1:
0x57: {  	_ = 	snop;
	(pc) =	sbr.rel @p0 .LBB2_3-.Ltmp1, $3  }
0x58: {  	_ = 	snop  }
0x59: {  	v0 =	vmul.f32 v63, v0;
	_ =	sdelay $0x1  }
0x5a: {  	s17 =	sadd.s32 $0x40, s17;
	s15 =	sadd.s32 $0x40, s15;
	[tilespmem:s16+$0x10] =	vst v0;
	s16 =	sadd.s32 $0x40, s16  }
0x5b: {  	v0 =	vld [tilespmem:$0xC80];
	_ =	sdelay $0x5  }
0x5c: {  	v1 =	vld [tilespmem:$0x600]  }
0x5d: {  	v2 =	vld [tilespmem:$0xC90]  }
0x5e: {  	v0 =	vld.idx.msk [tilespmem:v0+s11+$0x0], $0xffff;
	_ =	sdelay $0x4  }
0x5f: {  	v0 =	vmul.f32 v1, v0;
	_ =	sdelay $0x1  }
0x60: {  	v63 =	vld [tilespmem:$0x610];
	[tilespmem:$0x1B00] =	vst v0  }
0x61: {  	v0 =	vld.idx.msk [tilespmem:v2+s11+$0x0], $0xffff;
	_ =	sdelay $0x4  }
0x62: {  	s13 =	sadd.s32 $0x1, s13;
	v0 =	vmul.f32 v63, v0  }
0x63: {  	p0 =	sne.s32 s13, s7  }
.Ltmp2:
0x64: {  	[tilespmem:$0x1B10] =	vst v0;
	(pc) =	sbr.rel @p0 .LBB2_1-.Ltmp2, $4  }
0x65: {  	[hbm4b:s6+s3] =	stream.linear.scatter [tilespmem:s12], [sflag:$0x1], $0x620, $0x38;
	[tilespmem:$0x1B80] =	vst v63  }
0x66: {  	_ =	swait.ge [sflag:s9], $0x620  }
0x67: {  	[sflag:s9] =	ssyncset.done $0x0  }
0x68: {  	[sflag:s9] =	ssyncadd.s32 $0xFFFFF9E0  }
0x69: {  	_ =	sfence.sel $0x180000  }
0x6a: {  	[bflag:$0x0] =	sbarrier.arrive $0xFFFF  }
0x6b: {  	p0 =	sne.s32 s0, $0x0;
	_ =	strace $0x90000047  }
0x6c: {  	s0 =	sadd.s32 @!p0 $0x100000, s1;
	[bflag:$0x2] =	sbarrier.arrive $0xFFFF  }
0x6d: {  	[sflag:s0] =	ssyncadd.tile.s32 @!p0 $0x1;
	_ =	shalt  }
.Lfunc_end2:
_tile_overlayer_lowered:
.L_overlay_start_2:
0x6e: {  	(tag) =	ssettag $0x2  }
0x6f: {  	s0 =	rddreg [dreg:$0x0];
	s2 =	stileid.u32  }
0x70: {  	s1 =	rddreg [dreg:$0x1];
	p0 =	sne.s32 s2, $0x0  }
0x71: {  	s3 =	rddreg [dreg:$0x2];
	[bflag:$0x3] =	sbarrier.arrive $0xFFFF;
	s2 =	simm.s32 @!p0 $0x1C01  }
0x72: {  	[timem:s3], [sflag:s2] =	dma.local @!p0 [hbm:s0], s1  }
0x73: {  	s0 =	simm.s32 @!p0 $0x1  }
0x74: {  	_ =	swait.ge @!p0 [sflag:s0], s1  }
0x75: {  	s1 =	ssub.s32 @!p0 $0x0, s1;
	[sflag:s0] =	ssyncset.done @!p0 $0x0  }
0x76: {  	[sflag:s0] =	ssyncadd.s32 @!p0 s1  }
0x77: {  	[bflag:$0x3] =	sbarrier.arrive $0xFFFF  }
0x78: {  	_ =	shalt  }

</sc_bundles>
